<compile_context>
chip_gen: v7x
topology: tpu7x:2x2x1
jax: 0.10.2.dev20260603
libtpu: 0.0.44.dev20260713+nightly
codegen_flags: <defaults>
</compile_context>

<pallas_src>
import functools

import jax
import jax.numpy as jnp
from jax import lax
from jax.experimental import pallas as pl
from jax.experimental.pallas import tpu as pltpu
from jax.experimental.pallas import tpu_sc as plsc

_N_E = 8192
_E_DIM = 64
_BETA = 0.25
_M = 4608
_BM = 512
_W = 1024

_NW = 32
_BPW = _M // _NW
_CH = 72
_NCH = _BPW // _CH


def _vq_tc_body(z_ref, e_ref, idx_ref, loss_ref):
    z = z_ref[...]
    z_sq = jnp.sum(z * z, axis=1, keepdims=True)
    z2 = z + z

    def chunk_d2(c):
        ec = e_ref[pl.ds(c * _W, _W), :]
        e_sq = jnp.sum(ec * ec, axis=1)[None, :]
        mm2 = lax.dot_general(z2, ec, (((1,), (1,)), ((), ())),
                              preferred_element_type=jnp.float32)
        return (z_sq + e_sq) - mm2

    runv = chunk_d2(0)
    runc = jnp.zeros((_BM, _W), jnp.float32)
    for c in range(1, _N_E // _W):
        d2c = chunk_d2(c)
        lt = d2c < runv
        runc = jnp.where(lt, jnp.float32(c), runc)
        runv = jnp.minimum(runv, d2c)

    lanes = lax.broadcasted_iota(jnp.int32, (_BM, _W), 1).astype(jnp.float32)
    runi = runc * jnp.float32(_W) + lanes
    keys = jnp.sqrt(jnp.maximum(runv, 0.0))
    mink = jnp.min(keys, axis=1, keepdims=True)
    cand = jnp.where(keys == mink, runi, jnp.float32(_N_E))
    idx = jnp.min(cand, axis=1).astype(jnp.int32)
    part = jnp.sum(mink * mink)
    idx_ref[...] = idx

    @pl.when(pl.program_id(0) == 0)
    def _():
        loss_ref[...] = jnp.zeros_like(loss_ref)

    loss_ref[...] += part.reshape(1, 1)


@functools.cache
def _sc_gather_kernel():
    mesh = plsc.VectorSubcoreMesh(core_axis_name="c", subcore_axis_name="s")

    @functools.partial(
        pl.kernel,
        out_type=jax.ShapeDtypeStruct((_M, _E_DIM), jnp.float32),
        mesh=mesh,
        scratch_types=[
            pltpu.VMEM((_BPW,), jnp.int32),
            pltpu.VMEM((_CH, _E_DIM), jnp.float32),
            pltpu.SemaphoreType.DMA,
        ],
        compiler_params=pltpu.CompilerParams(use_tc_tiling_on_sc=False),
    )
    def _sc_gather(table_hbm, idx_hbm, out_hbm, idx_v, rows_v, sem):
        wid = lax.axis_index("s") * 2 + lax.axis_index("c")
        base = wid * _BPW
        pltpu.sync_copy(idx_hbm.at[pl.ds(base, _BPW)], idx_v)
        for j in range(_NCH):
            pltpu.async_copy(table_hbm.at[idx_v.at[pl.ds(j * _CH, _CH)]],
                             rows_v, sem).wait()
            pltpu.sync_copy(rows_v, out_hbm.at[pl.ds(base + j * _CH, _CH)])

    return _sc_gather


def kernel(z, embedding_weight):
    zt = jnp.transpose(z, (0, 2, 3, 1))
    z_flat = zt.reshape(-1, _E_DIM)
    idx_flat, loss_sum = pl.pallas_call(
        _vq_tc_body,
        grid=(_M // _BM,),
        in_specs=[
            pl.BlockSpec((_BM, _E_DIM), lambda i: (i, 0)),
            pl.BlockSpec((_N_E, _E_DIM), lambda i: (0, 0)),
        ],
        out_specs=[
            pl.BlockSpec((_BM,), lambda i: (i,)),
            pl.BlockSpec((1, 1), lambda i: (0, 0)),
        ],
        out_shape=[
            jax.ShapeDtypeStruct((_M,), jnp.int32),
            jax.ShapeDtypeStruct((1, 1), jnp.float32),
        ],
    )(z_flat, embedding_weight)

    z_q_flat = _sc_gather_kernel()(embedding_weight, idx_flat)
    z_q = z_q_flat.reshape(zt.shape)

    m = loss_sum[0, 0] / float(_M * _E_DIM)
    loss = _BETA * m + m
    out = jnp.transpose(z_q, (0, 3, 1, 2))
    idx_out = idx_flat.reshape(zt.shape[:-1])
    return out, loss, idx_out

# --- scband reference (transcript-rebuilt; emitter-appended) ---
"""Pipeline reference for scband-vector-quantizer-72129680769393 (READ-ONLY COPY).

The authoritative reference and input builder live on the scoring server;
editing this copy changes nothing except your own understanding.
"""

import jax, jax.numpy as jnp
import numpy as np

N_E = 8192
E_DIM = 64
BETA = 0.25

def setup_inputs(seed: int = 0) -> dict:
    key = jax.random.key(seed)
    k1, k2 = jax.random.split(key)
    z = jax.random.normal(k1, (8, 64, 24, 24), dtype=jnp.float32)
    embedding_weight = jax.random.normal(k2, (N_E, E_DIM), dtype=jnp.float32) * 0.02
    return {"z": z, "embedding_weight": embedding_weight}

def reference(z, embedding_weight):
    # b c h w -> b h w c
    zt = jnp.transpose(z, (0, 2, 3, 1))
    z_flat = zt.reshape(-1, E_DIM)
    # torch.cdist p=2 (Euclidean) via ||x||^2 + ||e||^2 - 2 x e^T
    z_sq = jnp.sum(z_flat ** 2, axis=1, keepdims=True)
    e_sq = jnp.sum(embedding_weight ** 2, axis=1)[None, :]
    d2 = z_sq + e_sq - 2.0 * (z_flat @ embedding_weight.T)
    d = jnp.sqrt(jnp.clip(d2, 0.0, None))
    min_encoding_indices = jnp.argmin(d, axis=1)
    z_q = jnp.take(embedding_weight, min_encoding_indices, axis=0).reshape(zt.shape)
    sg = jax.lax.stop_gradient
    loss_d1 = jnp.mean((sg(z_q) - zt) ** 2)
    loss_d2 = jnp.mean((z_q - sg(zt)) ** 2)
    loss = BETA * loss_d1 + loss_d2
    # straight-through estimator
    z_q_st = zt + sg(z_q - zt)
    idx_out = min_encoding_indices.reshape(zt.shape[:-1])
    out = jnp.transpose(z_q_st, (0, 3, 1, 2))
    return (out, loss, idx_out)

if __name__ == "__main__":
    import jax
    _d = setup_inputs()
    print(jax.jit(kernel)(*tuple(_d.values())))

</pallas_src>

<mosaic_0001>
#map = affine_map<(d0, d1) -> (0, 0)>
#map1 = affine_map<(d0, d1) -> (0)>
module attributes {stable_mosaic.version = 14 : i64} {
  func.func @_sc_gather(%arg0: i32, %arg1: i32, %arg2: memref<8192x64xf32, #tpu.memory_space<hbm>>, %arg3: memref<4608xi32, #tpu.memory_space<hbm>>, %arg4: memref<4608x64xf32, #tpu.memory_space<hbm>>, %arg5: memref<144xi32, #tpu.memory_space<vmem>>, %arg6: memref<72x64xf32, #tpu.memory_space<vmem>>, %arg7: memref<!tpu.dma_semaphore, #tpu.memory_space<semaphore_mem>>) attributes {dimension_semantics = [#tpu.dimension_semantics<core_parallel>, #tpu.dimension_semantics<subcore_parallel>], iteration_bounds = array<i64: 2, 16>, scalar_prefetch = 0 : i64, scratch_operands = 3 : i64, tpu.core_type = #tpu.core_type<sc_vector_subcore>, window_params = [{transform_indices = #map}, {transform_indices = #map1}, {transform_indices = #map}]} {
    %mul3A = arith.constant 2 : i32
    %mul3A_0 = arith.muli %arg1, %mul3A : i32
    %add3A = arith.addi %mul3A_0, %arg0 : i32
    %mul3A_1 = arith.constant 144 : i32
    %mul3A_2 = arith.muli %add3A, %mul3A_1 : i32
    "tpu.region"() ({
      %run_scoped3A = tpu.sem_alloc : memref<!tpu.dma_semaphore, #tpu.memory_space<semaphore_mem>>
      %dma_start3A_25 = tpu.memref_slice %arg3[%mul3A_2] : memref<4608xi32, #tpu.memory_space<hbm>> -> memref<144xi32, #tpu.memory_space<hbm>>
      %dma_start3A_26 = tpu.memref_slice %arg3[%mul3A_2] : memref<4608xi32, #tpu.memory_space<hbm>> -> memref<144xi32, #tpu.memory_space<hbm>>
      tpu.enqueue_dma source(%dma_start3A_26 : memref<144xi32, #tpu.memory_space<hbm>>) target(%arg5 : memref<144xi32, #tpu.memory_space<vmem>>) target_semaphore(%run_scoped3A : memref<!tpu.dma_semaphore, #tpu.memory_space<semaphore_mem>>)
      %dma_wait3A_27 = tpu.memref_slice %arg3[%mul3A_2] : memref<4608xi32, #tpu.memory_space<hbm>> -> memref<144xi32, #tpu.memory_space<hbm>>
      %dma_wait3A_28 = tpu.memref_slice %arg3[%mul3A_2] : memref<4608xi32, #tpu.memory_space<hbm>> -> memref<144xi32, #tpu.memory_space<hbm>>
      tpu.wait_dma2 semaphore(%run_scoped3A : memref<!tpu.dma_semaphore, #tpu.memory_space<semaphore_mem>>) src(%dma_wait3A_28 : memref<144xi32, #tpu.memory_space<hbm>>) dst(%arg5 : memref<144xi32, #tpu.memory_space<vmem>>)
      tpu.yield
    }) : () -> ()
    %dma_start3A = arith.constant 0 : i32
    %dma_start3A_3 = tpu.memref_slice %arg5[%dma_start3A] : memref<144xi32, #tpu.memory_space<vmem>> -> memref<72xi32, #tpu.memory_space<vmem>>
    %dma_start3A_4 = arith.constant 0 : i32
    %dma_start3A_5 = arith.constant 0 : i32
    %dma_start3A_6 = tpu.memref_slice %arg2[%dma_start3A_4, %dma_start3A_5] : memref<8192x64xf32, #tpu.memory_space<hbm>> -> memref<8192x64xf32, #tpu.memory_space<hbm>>
    tpu.enqueue_indirect_dma source(%dma_start3A_6 : memref<8192x64xf32, #tpu.memory_space<hbm>>) target(%arg6 : memref<72x64xf32, #tpu.memory_space<vmem>>) offsets(%dma_start3A_3 : memref<72xi32, #tpu.memory_space<vmem>>) semaphore(%arg7 : memref<!tpu.dma_semaphore, #tpu.memory_space<semaphore_mem>>)
    %dma_wait3A = arith.constant 0 : i32
    %dma_wait3A_7 = tpu.memref_slice %arg5[%dma_wait3A] : memref<144xi32, #tpu.memory_space<vmem>> -> memref<72xi32, #tpu.memory_space<vmem>>
    %dma_wait3A_8 = arith.constant 0 : i32
    %dma_wait3A_9 = arith.constant 0 : i32
    %dma_wait3A_10 = tpu.memref_slice %arg2[%dma_wait3A_8, %dma_wait3A_9] : memref<8192x64xf32, #tpu.memory_space<hbm>> -> memref<8192x64xf32, #tpu.memory_space<hbm>>
    tpu.wait_indirect_dma semaphore(%arg7 : memref<!tpu.dma_semaphore, #tpu.memory_space<semaphore_mem>>) src(%dma_wait3A_10 : memref<8192x64xf32, #tpu.memory_space<hbm>>) dst(%arg6 : memref<72x64xf32, #tpu.memory_space<vmem>>)
    %add3A_11 = arith.constant 0 : i32
    %add3A_12 = arith.addi %mul3A_2, %add3A_11 : i32
    "tpu.region"() ({
      %run_scoped3A = tpu.sem_alloc : memref<!tpu.dma_semaphore, #tpu.memory_space<semaphore_mem>>
      %dma_start3A_25 = arith.constant 0 : i32
      %dma_start3A_26 = tpu.memref_slice %arg4[%add3A_12, %dma_start3A_25] : memref<4608x64xf32, #tpu.memory_space<hbm>> -> memref<72x64xf32, #tpu.memory_space<hbm>>
      %dma_start3A_27 = arith.constant 0 : i32
      %dma_start3A_28 = tpu.memref_slice %arg4[%add3A_12, %dma_start3A_27] : memref<4608x64xf32, #tpu.memory_space<hbm>> -> memref<72x64xf32, #tpu.memory_space<hbm>>
      tpu.enqueue_dma source(%arg6 : memref<72x64xf32, #tpu.memory_space<vmem>>) target(%dma_start3A_28 : memref<72x64xf32, #tpu.memory_space<hbm>>) target_semaphore(%run_scoped3A : memref<!tpu.dma_semaphore, #tpu.memory_space<semaphore_mem>>)
      %dma_wait3A_29 = arith.constant 0 : i32
      %dma_wait3A_30 = tpu.memref_slice %arg4[%add3A_12, %dma_wait3A_29] : memref<4608x64xf32, #tpu.memory_space<hbm>> -> memref<72x64xf32, #tpu.memory_space<hbm>>
      %dma_wait3A_31 = arith.constant 0 : i32
      %dma_wait3A_32 = tpu.memref_slice %arg4[%add3A_12, %dma_wait3A_31] : memref<4608x64xf32, #tpu.memory_space<hbm>> -> memref<72x64xf32, #tpu.memory_space<hbm>>
      tpu.wait_dma2 semaphore(%run_scoped3A : memref<!tpu.dma_semaphore, #tpu.memory_space<semaphore_mem>>) src(%arg6 : memref<72x64xf32, #tpu.memory_space<vmem>>) dst(%dma_wait3A_32 : memref<72x64xf32, #tpu.memory_space<hbm>>)
      tpu.yield
    }) : () -> ()
    %dma_start3A_13 = arith.constant 72 : i32
    %dma_start3A_14 = tpu.memref_slice %arg5[%dma_start3A_13] : memref<144xi32, #tpu.memory_space<vmem>> -> memref<72xi32, #tpu.memory_space<vmem>>
    %dma_start3A_15 = arith.constant 0 : i32
    %dma_start3A_16 = arith.constant 0 : i32
    %dma_start3A_17 = tpu.memref_slice %arg2[%dma_start3A_15, %dma_start3A_16] : memref<8192x64xf32, #tpu.memory_space<hbm>> -> memref<8192x64xf32, #tpu.memory_space<hbm>>
    tpu.enqueue_indirect_dma source(%dma_start3A_17 : memref<8192x64xf32, #tpu.memory_space<hbm>>) target(%arg6 : memref<72x64xf32, #tpu.memory_space<vmem>>) offsets(%dma_start3A_14 : memref<72xi32, #tpu.memory_space<vmem>>) semaphore(%arg7 : memref<!tpu.dma_semaphore, #tpu.memory_space<semaphore_mem>>)
    %dma_wait3A_18 = arith.constant 72 : i32
    %dma_wait3A_19 = tpu.memref_slice %arg5[%dma_wait3A_18] : memref<144xi32, #tpu.memory_space<vmem>> -> memref<72xi32, #tpu.memory_space<vmem>>
    %dma_wait3A_20 = arith.constant 0 : i32
    %dma_wait3A_21 = arith.constant 0 : i32
    %dma_wait3A_22 = tpu.memref_slice %arg2[%dma_wait3A_20, %dma_wait3A_21] : memref<8192x64xf32, #tpu.memory_space<hbm>> -> memref<8192x64xf32, #tpu.memory_space<hbm>>
    tpu.wait_indirect_dma semaphore(%arg7 : memref<!tpu.dma_semaphore, #tpu.memory_space<semaphore_mem>>) src(%dma_wait3A_22 : memref<8192x64xf32, #tpu.memory_space<hbm>>) dst(%arg6 : memref<72x64xf32, #tpu.memory_space<vmem>>)
    %add3A_23 = arith.constant 72 : i32
    %add3A_24 = arith.addi %mul3A_2, %add3A_23 : i32
    "tpu.region"() ({
      %run_scoped3A = tpu.sem_alloc : memref<!tpu.dma_semaphore, #tpu.memory_space<semaphore_mem>>
      %dma_start3A_25 = arith.constant 0 : i32
      %dma_start3A_26 = tpu.memref_slice %arg4[%add3A_24, %dma_start3A_25] : memref<4608x64xf32, #tpu.memory_space<hbm>> -> memref<72x64xf32, #tpu.memory_space<hbm>>
      %dma_start3A_27 = arith.constant 0 : i32
      %dma_start3A_28 = tpu.memref_slice %arg4[%add3A_24, %dma_start3A_27] : memref<4608x64xf32, #tpu.memory_space<hbm>> -> memref<72x64xf32, #tpu.memory_space<hbm>>
      tpu.enqueue_dma source(%arg6 : memref<72x64xf32, #tpu.memory_space<vmem>>) target(%dma_start3A_28 : memref<72x64xf32, #tpu.memory_space<hbm>>) target_semaphore(%run_scoped3A : memref<!tpu.dma_semaphore, #tpu.memory_space<semaphore_mem>>)
      %dma_wait3A_29 = arith.constant 0 : i32
      %dma_wait3A_30 = tpu.memref_slice %arg4[%add3A_24, %dma_wait3A_29] : memref<4608x64xf32, #tpu.memory_space<hbm>> -> memref<72x64xf32, #tpu.memory_space<hbm>>
      %dma_wait3A_31 = arith.constant 0 : i32
      %dma_wait3A_32 = tpu.memref_slice %arg4[%add3A_24, %dma_wait3A_31] : memref<4608x64xf32, #tpu.memory_space<hbm>> -> memref<72x64xf32, #tpu.memory_space<hbm>>
      tpu.wait_dma2 semaphore(%run_scoped3A : memref<!tpu.dma_semaphore, #tpu.memory_space<semaphore_mem>>) src(%arg6 : memref<72x64xf32, #tpu.memory_space<vmem>>) dst(%dma_wait3A_32 : memref<72x64xf32, #tpu.memory_space<hbm>>)
      tpu.yield
    }) : () -> ()
    return
  }
}

module attributes {stable_mosaic.version = 14 : i64} {
  func.func @_vq_tc_body(%arg0: i32, %arg1: memref<512x64xf32, #tpu.memory_space<vmem>>, %arg2: memref<8192x64xf32, #tpu.memory_space<vmem>>, %arg3: memref<512xi32, #tpu.memory_space<vmem>>, %arg4: memref<1x1xf32, #tpu.memory_space<vmem>>) attributes {dimension_semantics = [#tpu.dimension_semantics<arbitrary>], iteration_bounds = array<i64: 9>, scalar_prefetch = 0 : i64, scratch_operands = 0 : i64, tpu.core_type = #tpu.core_type<tc>, window_params = [{transform_indices = @transform_0, window_bounds = array<i64: 512, 64>}, {pipeline_mode = #tpu.pipeline_mode<synchronous>, transform_indices = @transform_1, window_bounds = array<i64: 8192, 64>}, {transform_indices = @transform_2, window_bounds = array<i64: 512>}, {pipeline_mode = #tpu.pipeline_mode<synchronous>, transform_indices = @transform_3, window_bounds = array<i64: 1, 1>}]} {
    %get3A = arith.constant 0 : index
    %get3A_0 = arith.constant 0 : index
    %get3A_1 = vector.load %arg1[%get3A, %get3A_0] : memref<512x64xf32, #tpu.memory_space<vmem>>, vector<512x64xf32>
    %mul3A = arith.mulf %get3A_1, %get3A_1 : vector<512x64xf32>
    %reduce_sum3A = arith.constant dense<0.000000e+00> : vector<512xf32>
    %reduce_sum3A_2 = vector.multi_reduction <add>, %mul3A, %reduce_sum3A [1] : vector<512x64xf32> to vector<512xf32>
    %broadcast_in_dim3A = vector.shape_cast %reduce_sum3A_2 : vector<512xf32> to vector<512x1xf32>
    %add3A = arith.addf %get3A_1, %get3A_1 : vector<512x64xf32>
    %get3A_3 = arith.constant 0 : index
    %get3A_4 = arith.constant 0 : index
    %get3A_5 = vector.load %arg2[%get3A_3, %get3A_4] : memref<8192x64xf32, #tpu.memory_space<vmem>>, vector<1024x64xf32>
    %mul3A_6 = arith.mulf %get3A_5, %get3A_5 : vector<1024x64xf32>
    %reduce_sum3A_7 = arith.constant dense<0.000000e+00> : vector<1024xf32>
    %reduce_sum3A_8 = vector.multi_reduction <add>, %mul3A_6, %reduce_sum3A_7 [1] : vector<1024x64xf32> to vector<1024xf32>
    %broadcast_in_dim3A_9 = vector.shape_cast %reduce_sum3A_8 : vector<1024xf32> to vector<1x1024xf32>
    %dot_general3A = arith.constant dense<0.000000e+00> : vector<512x1024xf32>
    %dot_general3A_10 = tpu.matmul %add3A, %get3A_5, %dot_general3A {dimension_numbers = #tpu.dot_dimension_numbers<[1], [1], [0], [0], [0, 0, 1, 0], [], []>, transpose_lhs_hint = false} : vector<512x64xf32>, vector<1024x64xf32>, vector<512x1024xf32> -> vector<512x1024xf32>
    %add3A_11 = vector.broadcast %broadcast_in_dim3A : vector<512x1xf32> to vector<512x1024xf32>
    %add3A_12 = vector.broadcast %broadcast_in_dim3A_9 : vector<1x1024xf32> to vector<512x1024xf32>
    %add3A_13 = arith.addf %add3A_11, %add3A_12 : vector<512x1024xf32>
    %sub3A = arith.subf %add3A_13, %dot_general3A_10 : vector<512x1024xf32>
    %broadcast_in_dim3A_14 = arith.constant 0.000000e+00 : f32
    %broadcast_in_dim3A_15 = vector.broadcast %broadcast_in_dim3A_14 : f32 to vector<512x1024xf32>
    %get3A_16 = arith.constant 1024 : index
    %get3A_17 = arith.constant 0 : index
    %get3A_18 = vector.load %arg2[%get3A_16, %get3A_17] : memref<8192x64xf32, #tpu.memory_space<vmem>>, vector<1024x64xf32>
    %mul3A_19 = arith.mulf %get3A_18, %get3A_18 : vector<1024x64xf32>
    %reduce_sum3A_20 = arith.constant dense<0.000000e+00> : vector<1024xf32>
    %reduce_sum3A_21 = vector.multi_reduction <add>, %mul3A_19, %reduce_sum3A_20 [1] : vector<1024x64xf32> to vector<1024xf32>
    %broadcast_in_dim3A_22 = vector.shape_cast %reduce_sum3A_21 : vector<1024xf32> to vector<1x1024xf32>
    %dot_general3A_23 = arith.constant dense<0.000000e+00> : vector<512x1024xf32>
    %dot_general3A_24 = tpu.matmul %add3A, %get3A_18, %dot_general3A_23 {dimension_numbers = #tpu.dot_dimension_numbers<[1], [1], [0], [0], [0, 0, 1, 0], [], []>, transpose_lhs_hint = false} : vector<512x64xf32>, vector<1024x64xf32>, vector<512x1024xf32> -> vector<512x1024xf32>
    %add3A_25 = vector.broadcast %broadcast_in_dim3A : vector<512x1xf32> to vector<512x1024xf32>
    %add3A_26 = vector.broadcast %broadcast_in_dim3A_22 : vector<1x1024xf32> to vector<512x1024xf32>
    %add3A_27 = arith.addf %add3A_25, %add3A_26 : vector<512x1024xf32>
    %sub3A_28 = arith.subf %add3A_27, %dot_general3A_24 : vector<512x1024xf32>
    %lt3A = arith.cmpf olt, %sub3A_28, %sub3A : vector<512x1024xf32>
    %jit3A = arith.constant 1.000000e+00 : f32
    %broadcast_in_dim3A_29 = vector.broadcast %jit3A : f32 to vector<512x1024xf32>
    %select_n3A = arith.select %lt3A, %broadcast_in_dim3A_29, %broadcast_in_dim3A_15 : vector<512x1024xi1>, vector<512x1024xf32>
    %min3A = arith.minimumf %sub3A, %sub3A_28 : vector<512x1024xf32>
    %get3A_30 = arith.constant 2048 : index
    %get3A_31 = arith.constant 0 : index
    %get3A_32 = vector.load %arg2[%get3A_30, %get3A_31] : memref<8192x64xf32, #tpu.memory_space<vmem>>, vector<1024x64xf32>
    %mul3A_33 = arith.mulf %get3A_32, %get3A_32 : vector<1024x64xf32>
    %reduce_sum3A_34 = arith.constant dense<0.000000e+00> : vector<1024xf32>
    %reduce_sum3A_35 = vector.multi_reduction <add>, %mul3A_33, %reduce_sum3A_34 [1] : vector<1024x64xf32> to vector<1024xf32>
    %broadcast_in_dim3A_36 = vector.shape_cast %reduce_sum3A_35 : vector<1024xf32> to vector<1x1024xf32>
    %dot_general3A_37 = arith.constant dense<0.000000e+00> : vector<512x1024xf32>
    %dot_general3A_38 = tpu.matmul %add3A, %get3A_32, %dot_general3A_37 {dimension_numbers = #tpu.dot_dimension_numbers<[1], [1], [0], [0], [0, 0, 1, 0], [], []>, transpose_lhs_hint = false} : vector<512x64xf32>, vector<1024x64xf32>, vector<512x1024xf32> -> vector<512x1024xf32>
    %add3A_39 = vector.broadcast %broadcast_in_dim3A : vector<512x1xf32> to vector<512x1024xf32>
    %add3A_40 = vector.broadcast %broadcast_in_dim3A_36 : vector<1x1024xf32> to vector<512x1024xf32>
    %add3A_41 = arith.addf %add3A_39, %add3A_40 : vector<512x1024xf32>
    %sub3A_42 = arith.subf %add3A_41, %dot_general3A_38 : vector<512x1024xf32>
    %lt3A_43 = arith.cmpf olt, %sub3A_42, %min3A : vector<512x1024xf32>
    %jit3A_44 = arith.constant 2.000000e+00 : f32
    %broadcast_in_dim3A_45 = vector.broadcast %jit3A_44 : f32 to vector<512x1024xf32>
    %select_n3A_46 = arith.select %lt3A_43, %broadcast_in_dim3A_45, %select_n3A : vector<512x1024xi1>, vector<512x1024xf32>
    %min3A_47 = arith.minimumf %min3A, %sub3A_42 : vector<512x1024xf32>
    %get3A_48 = arith.constant 3072 : index
    %get3A_49 = arith.constant 0 : index
    %get3A_50 = vector.load %arg2[%get3A_48, %get3A_49] : memref<8192x64xf32, #tpu.memory_space<vmem>>, vector<1024x64xf32>
    %mul3A_51 = arith.mulf %get3A_50, %get3A_50 : vector<1024x64xf32>
    %reduce_sum3A_52 = arith.constant dense<0.000000e+00> : vector<1024xf32>
    %reduce_sum3A_53 = vector.multi_reduction <add>, %mul3A_51, %reduce_sum3A_52 [1] : vector<1024x64xf32> to vector<1024xf32>
    %broadcast_in_dim3A_54 = vector.shape_cast %reduce_sum3A_53 : vector<1024xf32> to vector<1x1024xf32>
    %dot_general3A_55 = arith.constant dense<0.000000e+00> : vector<512x1024xf32>
    %dot_general3A_56 = tpu.matmul %add3A, %get3A_50, %dot_general3A_55 {dimension_numbers = #tpu.dot_dimension_numbers<[1], [1], [0], [0], [0, 0, 1, 0], [], []>, transpose_lhs_hint = false} : vector<512x64xf32>, vector<1024x64xf32>, vector<512x1024xf32> -> vector<512x1024xf32>
    %add3A_57 = vector.broadcast %broadcast_in_dim3A : vector<512x1xf32> to vector<512x1024xf32>
    %add3A_58 = vector.broadcast %broadcast_in_dim3A_54 : vector<1x1024xf32> to vector<512x1024xf32>
    %add3A_59 = arith.addf %add3A_57, %add3A_58 : vector<512x1024xf32>
    %sub3A_60 = arith.subf %add3A_59, %dot_general3A_56 : vector<512x1024xf32>
    %lt3A_61 = arith.cmpf olt, %sub3A_60, %min3A_47 : vector<512x1024xf32>
    %jit3A_62 = arith.constant 3.000000e+00 : f32
    %broadcast_in_dim3A_63 = vector.broadcast %jit3A_62 : f32 to vector<512x1024xf32>
    %select_n3A_64 = arith.select %lt3A_61, %broadcast_in_dim3A_63, %select_n3A_46 : vector<512x1024xi1>, vector<512x1024xf32>
    %min3A_65 = arith.minimumf %min3A_47, %sub3A_60 : vector<512x1024xf32>
    %get3A_66 = arith.constant 4096 : index
    %get3A_67 = arith.constant 0 : index
    %get3A_68 = vector.load %arg2[%get3A_66, %get3A_67] : memref<8192x64xf32, #tpu.memory_space<vmem>>, vector<1024x64xf32>
    %mul3A_69 = arith.mulf %get3A_68, %get3A_68 : vector<1024x64xf32>
    %reduce_sum3A_70 = arith.constant dense<0.000000e+00> : vector<1024xf32>
    %reduce_sum3A_71 = vector.multi_reduction <add>, %mul3A_69, %reduce_sum3A_70 [1] : vector<1024x64xf32> to vector<1024xf32>
    %broadcast_in_dim3A_72 = vector.shape_cast %reduce_sum3A_71 : vector<1024xf32> to vector<1x1024xf32>
    %dot_general3A_73 = arith.constant dense<0.000000e+00> : vector<512x1024xf32>
    %dot_general3A_74 = tpu.matmul %add3A, %get3A_68, %dot_general3A_73 {dimension_numbers = #tpu.dot_dimension_numbers<[1], [1], [0], [0], [0, 0, 1, 0], [], []>, transpose_lhs_hint = false} : vector<512x64xf32>, vector<1024x64xf32>, vector<512x1024xf32> -> vector<512x1024xf32>
    %add3A_75 = vector.broadcast %broadcast_in_dim3A : vector<512x1xf32> to vector<512x1024xf32>
    %add3A_76 = vector.broadcast %broadcast_in_dim3A_72 : vector<1x1024xf32> to vector<512x1024xf32>
    %add3A_77 = arith.addf %add3A_75, %add3A_76 : vector<512x1024xf32>
    %sub3A_78 = arith.subf %add3A_77, %dot_general3A_74 : vector<512x1024xf32>
    %lt3A_79 = arith.cmpf olt, %sub3A_78, %min3A_65 : vector<512x1024xf32>
    %jit3A_80 = arith.constant 4.000000e+00 : f32
    %broadcast_in_dim3A_81 = vector.broadcast %jit3A_80 : f32 to vector<512x1024xf32>
    %select_n3A_82 = arith.select %lt3A_79, %broadcast_in_dim3A_81, %select_n3A_64 : vector<512x1024xi1>, vector<512x1024xf32>
    %min3A_83 = arith.minimumf %min3A_65, %sub3A_78 : vector<512x1024xf32>
    %get3A_84 = arith.constant 5120 : index
    %get3A_85 = arith.constant 0 : index
    %get3A_86 = vector.load %arg2[%get3A_84, %get3A_85] : memref<8192x64xf32, #tpu.memory_space<vmem>>, vector<1024x64xf32>
    %mul3A_87 = arith.mulf %get3A_86, %get3A_86 : vector<1024x64xf32>
    %reduce_sum3A_88 = arith.constant dense<0.000000e+00> : vector<1024xf32>
    %reduce_sum3A_89 = vector.multi_reduction <add>, %mul3A_87, %reduce_sum3A_88 [1] : vector<1024x64xf32> to vector<1024xf32>
    %broadcast_in_dim3A_90 = vector.shape_cast %reduce_sum3A_89 : vector<1024xf32> to vector<1x1024xf32>
    %dot_general3A_91 = arith.constant dense<0.000000e+00> : vector<512x1024xf32>
    %dot_general3A_92 = tpu.matmul %add3A, %get3A_86, %dot_general3A_91 {dimension_numbers = #tpu.dot_dimension_numbers<[1], [1], [0], [0], [0, 0, 1, 0], [], []>, transpose_lhs_hint = false} : vector<512x64xf32>, vector<1024x64xf32>, vector<512x1024xf32> -> vector<512x1024xf32>
    %add3A_93 = vector.broadcast %broadcast_in_dim3A : vector<512x1xf32> to vector<512x1024xf32>
    %add3A_94 = vector.broadcast %broadcast_in_dim3A_90 : vector<1x1024xf32> to vector<512x1024xf32>
    %add3A_95 = arith.addf %add3A_93, %add3A_94 : vector<512x1024xf32>
    %sub3A_96 = arith.subf %add3A_95, %dot_general3A_92 : vector<512x1024xf32>
    %lt3A_97 = arith.cmpf olt, %sub3A_96, %min3A_83 : vector<512x1024xf32>
    %jit3A_98 = arith.constant 5.000000e+00 : f32
    %broadcast_in_dim3A_99 = vector.broadcast %jit3A_98 : f32 to vector<512x1024xf32>
    %select_n3A_100 = arith.select %lt3A_97, %broadcast_in_dim3A_99, %select_n3A_82 : vector<512x1024xi1>, vector<512x1024xf32>
    %min3A_101 = arith.minimumf %min3A_83, %sub3A_96 : vector<512x1024xf32>
    %get3A_102 = arith.constant 6144 : index
    %get3A_103 = arith.constant 0 : index
    %get3A_104 = vector.load %arg2[%get3A_102, %get3A_103] : memref<8192x64xf32, #tpu.memory_space<vmem>>, vector<1024x64xf32>
    %mul3A_105 = arith.mulf %get3A_104, %get3A_104 : vector<1024x64xf32>
    %reduce_sum3A_106 = arith.constant dense<0.000000e+00> : vector<1024xf32>
    %reduce_sum3A_107 = vector.multi_reduction <add>, %mul3A_105, %reduce_sum3A_106 [1] : vector<1024x64xf32> to vector<1024xf32>
    %broadcast_in_dim3A_108 = vector.shape_cast %reduce_sum3A_107 : vector<1024xf32> to vector<1x1024xf32>
    %dot_general3A_109 = arith.constant dense<0.000000e+00> : vector<512x1024xf32>
    %dot_general3A_110 = tpu.matmul %add3A, %get3A_104, %dot_general3A_109 {dimension_numbers = #tpu.dot_dimension_numbers<[1], [1], [0], [0], [0, 0, 1, 0], [], []>, transpose_lhs_hint = false} : vector<512x64xf32>, vector<1024x64xf32>, vector<512x1024xf32> -> vector<512x1024xf32>
    %add3A_111 = vector.broadcast %broadcast_in_dim3A : vector<512x1xf32> to vector<512x1024xf32>
    %add3A_112 = vector.broadcast %broadcast_in_dim3A_108 : vector<1x1024xf32> to vector<512x1024xf32>
    %add3A_113 = arith.addf %add3A_111, %add3A_112 : vector<512x1024xf32>
    %sub3A_114 = arith.subf %add3A_113, %dot_general3A_110 : vector<512x1024xf32>
    %lt3A_115 = arith.cmpf olt, %sub3A_114, %min3A_101 : vector<512x1024xf32>
    %jit3A_116 = arith.constant 6.000000e+00 : f32
    %broadcast_in_dim3A_117 = vector.broadcast %jit3A_116 : f32 to vector<512x1024xf32>
    %select_n3A_118 = arith.select %lt3A_115, %broadcast_in_dim3A_117, %select_n3A_100 : vector<512x1024xi1>, vector<512x1024xf32>
    %min3A_119 = arith.minimumf %min3A_101, %sub3A_114 : vector<512x1024xf32>
    %get3A_120 = arith.constant 7168 : index
    %get3A_121 = arith.constant 0 : index
    %get3A_122 = vector.load %arg2[%get3A_120, %get3A_121] : memref<8192x64xf32, #tpu.memory_space<vmem>>, vector<1024x64xf32>
    %mul3A_123 = arith.mulf %get3A_122, %get3A_122 : vector<1024x64xf32>
    %reduce_sum3A_124 = arith.constant dense<0.000000e+00> : vector<1024xf32>
    %reduce_sum3A_125 = vector.multi_reduction <add>, %mul3A_123, %reduce_sum3A_124 [1] : vector<1024x64xf32> to vector<1024xf32>
    %broadcast_in_dim3A_126 = vector.shape_cast %reduce_sum3A_125 : vector<1024xf32> to vector<1x1024xf32>
    %dot_general3A_127 = arith.constant dense<0.000000e+00> : vector<512x1024xf32>
    %dot_general3A_128 = tpu.matmul %add3A, %get3A_122, %dot_general3A_127 {dimension_numbers = #tpu.dot_dimension_numbers<[1], [1], [0], [0], [0, 0, 1, 0], [], []>, transpose_lhs_hint = false} : vector<512x64xf32>, vector<1024x64xf32>, vector<512x1024xf32> -> vector<512x1024xf32>
    %add3A_129 = vector.broadcast %broadcast_in_dim3A : vector<512x1xf32> to vector<512x1024xf32>
    %add3A_130 = vector.broadcast %broadcast_in_dim3A_126 : vector<1x1024xf32> to vector<512x1024xf32>
    %add3A_131 = arith.addf %add3A_129, %add3A_130 : vector<512x1024xf32>
    %sub3A_132 = arith.subf %add3A_131, %dot_general3A_128 : vector<512x1024xf32>
    %lt3A_133 = arith.cmpf olt, %sub3A_132, %min3A_119 : vector<512x1024xf32>
    %jit3A_134 = arith.constant 7.000000e+00 : f32
    %broadcast_in_dim3A_135 = vector.broadcast %jit3A_134 : f32 to vector<512x1024xf32>
    %select_n3A_136 = arith.select %lt3A_133, %broadcast_in_dim3A_135, %select_n3A_118 : vector<512x1024xi1>, vector<512x1024xf32>
    %min3A_137 = arith.minimumf %min3A_119, %sub3A_132 : vector<512x1024xf32>
    %iota3A = tpu.iota {dimensions = array<i32: 1>} : vector<512x1024xi32>
    %convert_element_type3A = arith.sitofp %iota3A : vector<512x1024xi32> to vector<512x1024xf32>
    %mul3A_138 = arith.constant 1.024000e+03 : f32
    %mul3A_139 = vector.broadcast %mul3A_138 : f32 to vector<512x1024xf32>
    %mul3A_140 = arith.mulf %select_n3A_136, %mul3A_139 : vector<512x1024xf32>
    %add3A_141 = arith.addf %mul3A_140, %convert_element_type3A : vector<512x1024xf32>
    %max3A = arith.constant 0.000000e+00 : f32
    %max3A_142 = vector.broadcast %max3A : f32 to vector<512x1024xf32>
    %max3A_143 = arith.maximumf %min3A_137, %max3A_142 : vector<512x1024xf32>
    %sqrt3A = math.sqrt %max3A_143 : vector<512x1024xf32>
    %reduce_min3A = arith.constant dense<0x7F800000> : vector<512xf32>
    %reduce_min3A_144 = vector.multi_reduction <minimumf>, %sqrt3A, %reduce_min3A [1] : vector<512x1024xf32> to vector<512xf32>
    %broadcast_in_dim3A_145 = vector.shape_cast %reduce_min3A_144 : vector<512xf32> to vector<512x1xf32>
    %eq3A = vector.broadcast %broadcast_in_dim3A_145 : vector<512x1xf32> to vector<512x1024xf32>
    %eq3A_146 = arith.cmpf oeq, %sqrt3A, %eq3A : vector<512x1024xf32>
    %jit3A_147 = arith.constant 8.192000e+03 : f32
    %broadcast_in_dim3A_148 = vector.broadcast %jit3A_147 : f32 to vector<512x1024xf32>
    %select_n3A_149 = arith.select %eq3A_146, %add3A_141, %broadcast_in_dim3A_148 : vector<512x1024xi1>, vector<512x1024xf32>
    %reduce_min3A_150 = arith.constant dense<0x7F800000> : vector<512xf32>
    %reduce_min3A_151 = vector.multi_reduction <minimumf>, %select_n3A_149, %reduce_min3A_150 [1] : vector<512x1024xf32> to vector<512xf32>
    %convert_element_type3A_152 = arith.fptosi %reduce_min3A_151 : vector<512xf32> to vector<512xi32>
    %mul3A_153 = arith.mulf %broadcast_in_dim3A_145, %broadcast_in_dim3A_145 : vector<512x1xf32>
    %reduce_sum3A_154 = vector.shape_cast %mul3A_153 : vector<512x1xf32> to vector<1x512x1xf32>
    %reduce_sum3A_155 = arith.constant dense<0.000000e+00> : vector<1xf32>
    %reduce_sum3A_156 = vector.multi_reduction <add>, %reduce_sum3A_154, %reduce_sum3A_155 [1, 2] : vector<1x512x1xf32> to vector<1xf32>
    %reduce_sum3A_157 = vector.shape_cast %reduce_sum3A_156 : vector<1xf32> to vector<1x1x1xf32>
    %reduce_sum3A_158 = vector.extract %reduce_sum3A_157[0, 0, 0] : f32 from vector<1x1x1xf32>
    %swap3A = arith.constant 0 : index
    %swap3A_159 = vector.load %arg3[%swap3A] : memref<512xi32, #tpu.memory_space<vmem>>, vector<512xi32>
    tpu.vector_store %arg3[%swap3A], %convert_element_type3A_152 {strides = array<i32>} : memref<512xi32, #tpu.memory_space<vmem>>, vector<512xi32>,
    %eq3A_160 = arith.constant 0 : i32
    %eq3A_161 = arith.cmpi eq, %arg0, %eq3A_160 : i32
    %convert_element_type3A_162 = arith.extui %eq3A_161 : i1 to i32
    %cond3A = arith.constant 0 : i32
    %cond3A_163 = arith.cmpi ne, %convert_element_type3A_162, %cond3A : i32
    scf.if %cond3A_163 {
      %broadcast_in_dim3A_171 = arith.constant 0.000000e+00 : f32
      %broadcast_in_dim3A_172 = vector.broadcast %broadcast_in_dim3A_171 : f32 to vector<1x1xf32>
      %swap3A_173 = arith.constant 0 : index
      %swap3A_174 = arith.constant 0 : index
      %swap3A_175 = vector.load %arg4[%swap3A_173, %swap3A_174] : memref<1x1xf32, #tpu.memory_space<vmem>>, vector<1x1xf32>
      tpu.vector_store %arg4[%swap3A_173, %swap3A_174], %broadcast_in_dim3A_172 {strides = array<i32>} : memref<1x1xf32, #tpu.memory_space<vmem>>, vector<1x1xf32>,
    } else {
    }
    %get3A_164 = arith.constant 0 : index
    %get3A_165 = arith.constant 0 : index
    %get3A_166 = vector.load %arg4[%get3A_164, %get3A_165] : memref<1x1xf32, #tpu.memory_space<vmem>>, vector<1x1xf32>
    %reshape3A = vector.broadcast %reduce_sum3A_158 : f32 to vector<1x1xf32>
    %add3A_167 = arith.addf %get3A_166, %reshape3A : vector<1x1xf32>
    %swap3A_168 = arith.constant 0 : index
    %swap3A_169 = arith.constant 0 : index
    %swap3A_170 = vector.load %arg4[%swap3A_168, %swap3A_169] : memref<1x1xf32, #tpu.memory_space<vmem>>, vector<1x1xf32>
    tpu.vector_store %arg4[%swap3A_168, %swap3A_169], %add3A_167 {strides = array<i32>} : memref<1x1xf32, #tpu.memory_space<vmem>>, vector<1x1xf32>,
    return
  }
  func.func @transform_0(%arg0: i32) -> (i32, i32) {
    %c0_i32 = arith.constant 0 : i32
    %c0_i32_0 = arith.constant 0 : i32
    return %arg0, %c0_i32 : i32, i32
  }
  func.func @transform_1(%arg0: i32) -> (i32, i32) {
    %c0_i32 = arith.constant 0 : i32
    %c0_i32_0 = arith.constant 0 : i32
    %c0_i32_1 = arith.constant 0 : i32
    return %c0_i32, %c0_i32_0 : i32, i32
  }
  func.func @transform_2(%arg0: i32) -> i32 {
    %c0_i32 = arith.constant 0 : i32
    return %arg0 : i32
  }
  func.func @transform_3(%arg0: i32) -> (i32, i32) {
    %c0_i32 = arith.constant 0 : i32
    %c0_i32_0 = arith.constant 0 : i32
    %c0_i32_1 = arith.constant 0 : i32
    return %c0_i32, %c0_i32_0 : i32, i32
  }
}

</mosaic_0001>

<sc_bundles>
// kernel: kernel.4.cloned.1.call-start
scs
__scs_entry_jumppad:
0x0: {  	(pc) =	sbr.rel $0x88, $3  }
0x1: {  	(tag) =	ssettag $0x0;
	lr =	simm.s32 $0x1  }
0x2: {  	[smem:$0x3F9F] =	sst lr;
	_ =	strace $0xD0000000  }
0x3: {  	_ = 	snop  }
0x4: {  	_ = 	snop  }
0x5: {  	_ = 	snop  }
0x6: {  	_ = 	snop  }
0x7: {  	_ = 	snop  }
__scs_overlays_trampoline_lowered:
0x8: {  	[smem:$0x3FAE] =	sst s0  }
0x9: {  	[smem:$0x3FAF] =	sst s1  }
0xa: {  	[smem:$0x3FB0] =	sst s2  }
0xb: {  	[smem:$0x3FB1] =	sst s3  }
0xc: {  	[smem:$0x3FB2] =	sst s4  }
0xd: {  	[smem:$0x3FB3] =	sst s5  }
0xe: {  	[smem:$0x3FB4] =	sst s6  }
0xf: {  	[smem:$0x3FB5] =	sst s7  }
0x10: {  	[smem:$0x3FB6] =	sst s8  }
0x11: {  	[smem:$0x3FB7] =	sst s9;
	s0 =	simm.s32 @!p0 $0x0  }
0x12: {  	s1 =	sld [smem:$0x3F9D];
	s0 =	simm.s32 @p0 $0x1  }
0x13: {  	[smem:$0x3FB8] =	sst s0;
	s0 =	simm.s32 @!p1 $0x0  }
0x14: {  	s2 =	sld [smem:$0x3F9C];
	s0 =	simm.s32 @p1 $0x1  }
0x15: {  	[smem:$0x3FB9] =	sst s0;
	s0 =	simm.s32 @!p2 $0x0  }
0x16: {  	s3 =	sld [smem:$0x3FDB];
	s0 =	simm.s32 @p2 $0x1  }
0x17: {  	s4 =	simm.s32 $0x1BF5;
	[smem:$0x3FBB] =	sst s0  }
0x18: {  	s0 =	sld [smem:$0x3F9E];
	_ =	swait.ge [sflag:s4], $0x0  }
0x19: {  	s7 =	sld [smem:$0x3F9F]  }
0x1a: {  	s8 =	sadd.s32 $0xFFFFE003, lr  }
0x1b: {  	s9 =	sadd.s32 $0xFFFFFEF7, lr;
	s5 =	simm.s32 $0xFFFFFFFF;
	p2 =	slt.u32 s8, $0xFFFFF086  }
0x1c: {  	p1 =	slt.u32 s9, $0xF7A;
	s5 =	simm.s32 @!p2 $0x0  }
0x1d: {  	s5 =	simm.s32 @p1 $0x1;
	p0 =	seq.s32 s7, s2  }
0x1e: {  	s7 =	smul.u32 @!p0 $0xF7A, s2;
	p2 =	seq.s32 @!p0 s5, $0x0  }
0x1f: {  	s9 =	smul.u32 $0xF7A, s1;
	s8 =	simm.s32 @!p0 $0x1BF5;
	p2 =	por !p2, p0  }
0x20: {  	[sflag:s8] =	ssyncset.s32 @!p0 $0xFFFFF086;
	s6 =	sadd.s32 @!p0 s3, s7;
	s7 =	simm.s32 @!p0 $0x108  }
0x21: {  	s3 =	sadd.s32 s3, s9;
	s6 =	sadd.s32 @!p0 $0x88, s6;
	s7 =	simm.s32 @p2 $0x1082  }
0x22: {  	[simem:s7], [sflag:s8] =	dma.local @!p0 [hbm:s6], $0xF7A  }
0x23: {  	s9 =	sor.u32 $0xD0000000, s2;
	s6 =	simm.s32 $0x108;
	_ =	swait.ge @!p0 [sflag:s8], $0x0  }
0x24: {  	s3 =	sadd.s32 $0x88, s3;
	s6 =	simm.s32 @!p1 $0x1082;
	[sflag:s4] =	ssyncset.s32 $0xFFFFF086  }
0x25: {  	[simem:s6], [sflag:s4] =	dma.local [hbm:s3], $0xF7A  }
0x26: {  	[smem:$0x3F9F] =	sst s1;
	(tag) =	ssettag s2;
	_ =	strace s9  }
0x27: {  	s1 =	sld [smem:$0x3FAF]  }
0x28: {  	s2 =	sld [smem:$0x3FB0]  }
0x29: {  	s4 =	sld [smem:$0x3FB2]  }
0x2a: {  	p0 =	seq.s32 s5, $0x0;
	s5 =	sld [smem:$0x3FB3]  }
0x2b: {  	s6 =	sld [smem:$0x3FB4]  }
0x2c: {  	s7 =	sld [smem:$0x3FB5]  }
0x2d: {  	s3 =	simm.s32 $0x108;
	s8 =	sld [smem:$0x3FB6]  }
0x2e: {  	s3 =	simm.s32 @!p0 $0x1082;
	s9 =	sld [smem:$0x3FB7]  }
0x2f: {  	lr =	sadd.s32 s0, s3;
	s0 =	sld [smem:$0x3FAE]  }
0x30: {  	s3 =	sld [smem:$0x3FB1]  }
0x31: {  	[smem:$0x3FBA] =	sst s10  }
0x32: {  	s10 =	sld [smem:$0x3FB8];
	_ =	sdelay $0x3  }
0x33: {  	p0 =	seq.s32 s10, $0x1;
	s10 =	sld [smem:$0x3FBA];
	_ =	sdelay $0x3  }
0x34: {  	[smem:$0x3FBA] =	sst s10  }
0x35: {  	s10 =	sld [smem:$0x3FB9];
	_ =	sdelay $0x3  }
0x36: {  	p1 =	seq.s32 s10, $0x1;
	s10 =	sld [smem:$0x3FBA];
	_ =	sdelay $0x3  }
0x37: {  	[smem:$0x3FBA] =	sst s10  }
0x38: {  	s10 =	sld [smem:$0x3FBB]  }
0x39: {  	_ = 	snop;
	(pc) =	sbr.ind lr, $3  }
0x3a: {  	_ = 	snop  }
0x3b: {  	_ = 	snop  }
0x3c: {  	p2 =	seq.s32 s10, $0x1;
	s10 =	sld [smem:$0x3FBA]  }
0x3d: {  	_ =	shalt  }
0x3e: {  	_ =	shalt  }
0x3f: {  	_ =	shalt  }
0x40: {  	_ =	shalt  }
0x41: {  	_ =	shalt  }
0x42: {  	_ =	shalt  }
0x43: {  	_ =	shalt  }
0x44: {  	_ =	shalt  }
0x45: {  	_ =	shalt  }
0x46: {  	_ =	shalt  }
0x47: {  	_ =	shalt  }
0x48: {  	_ =	shalt  }
0x49: {  	_ =	shalt  }
0x4a: {  	_ =	shalt  }
0x4b: {  	_ =	shalt  }
0x4c: {  	_ =	shalt  }
0x4d: {  	_ =	shalt  }
0x4e: {  	_ =	shalt  }
0x4f: {  	_ =	shalt  }
0x50: {  	_ =	shalt  }
0x51: {  	_ =	shalt  }
0x52: {  	_ =	shalt  }
0x53: {  	_ =	shalt  }
0x54: {  	_ =	shalt  }
0x55: {  	_ =	shalt  }
0x56: {  	_ =	shalt  }
0x57: {  	_ =	shalt  }
0x58: {  	_ =	shalt  }
0x59: {  	_ =	shalt  }
0x5a: {  	_ =	shalt  }
0x5b: {  	_ =	shalt  }
0x5c: {  	_ =	shalt  }
0x5d: {  	_ =	shalt  }
0x5e: {  	_ =	shalt  }
0x5f: {  	_ =	shalt  }
0x60: {  	_ =	shalt  }
0x61: {  	_ =	shalt  }
0x62: {  	_ =	shalt  }
0x63: {  	_ =	shalt  }
0x64: {  	_ =	shalt  }
0x65: {  	_ =	shalt  }
0x66: {  	_ =	shalt  }
0x67: {  	_ =	shalt  }
0x68: {  	_ =	shalt  }
0x69: {  	_ =	shalt  }
0x6a: {  	_ =	shalt  }
0x6b: {  	_ =	shalt  }
0x6c: {  	_ =	shalt  }
0x6d: {  	_ =	shalt  }
0x6e: {  	_ =	shalt  }
0x6f: {  	_ =	shalt  }
0x70: {  	_ =	shalt  }
0x71: {  	_ =	shalt  }
0x72: {  	_ =	shalt  }
0x73: {  	_ =	shalt  }
0x74: {  	_ =	shalt  }
0x75: {  	_ =	shalt  }
0x76: {  	_ =	shalt  }
0x77: {  	_ =	shalt  }
0x78: {  	_ =	shalt  }
0x79: {  	_ =	shalt  }
0x7a: {  	_ =	shalt  }
0x7b: {  	_ =	shalt  }
0x7c: {  	_ =	shalt  }
0x7d: {  	_ =	shalt  }
0x7e: {  	_ =	shalt  }
0x7f: {  	_ =	shalt  }
0x80: {  	_ =	shalt  }
0x81: {  	_ =	shalt  }
0x82: {  	_ =	shalt  }
0x83: {  	_ =	shalt  }
0x84: {  	_ =	shalt  }
0x85: {  	_ =	shalt  }
0x86: {  	_ =	shalt  }
0x87: {  	_ =	shalt  }
.Lfunc_end0:
.L_simem_size_0:
called_computation_lowered:
.L_overlay_start_0:
0x88: {  	s2 =	sld [smem:$0x3FD9]  }
0x89: {  	s3 =	sld [smem:$0x3FFE];
	_ =	sdelay $0x1  }
0x8a: {  	s1 =	srdreg.scid  }
0x8b: {  	s0 =	sand.u32 $0x1, s1  }
0x8c: {  	s14 =	sshll.u32 s0, $0xA;
	s2 =	sadd.s32 s3, s2  }
0x8d: {  	s2 =	sadd.s32 s2, s14  }
0x8e: {  	[smem:$0x3FC6] =	sst s2  }
0x8f: {  	_ = 	snop  }
0x90: {  	s2 =	sld [smem:$0x3FD0];
	_ =	sdelay $0x2  }
0x91: {  	s15 =	simm.s32 $0xA;
	s4 =	simm.s32 $0x10  }
0x92: {  	[smem:s4], [sflag:s15] =	dma.local [hbm:s2], $0x1  }
0x93: {  	_ =	swait.eq [sflag:s15], $0x1  }
0x94: {  	[sflag:s15] =	ssyncset.done $0x0  }
0x95: {  	[sflag:s15] =	ssyncadd.s32 $0xFFFFFFFF  }
0x96: {  	s16 =	sld [smem:$0x10];
	(tm) =	ssettm $0x1  }
0x97: {  	s17 =	sld [smem:$0x3FFB];
	_ =	sdelay $0x3  }
0x98: {  	_ =	strace s17  }
0x99: {  	s3 =	sld [smem:$0x3FFC];
	_ =	sdelay $0x3  }
0x9a: {  	_ =	strace s3  }
0x9b: {  	s3 =	sld [smem:$0x3FFD];
	_ =	sdelay $0x3  }
0x9c: {  	_ =	strace s3  }
0x9d: {  	_ =	strace $0x8FFFFFFF  }
0x9e: {  	s18 =	sld [smem:$0x3FDB];
	_ =	sdelay $0x1  }
0x9f: {  	s19 =	simm.s32 $_scs_section_size  }
0xa0: {  	s5 =	simm.s32 $_size__tile_overlayer_lowered;
	s6 =	simm.s32 $_tile_overlayer_lowered  }
0xa1: {  	s22 =	simm.s32 $0x1BFF;
	s21 =	sshll.u32 s6, $0x1;
	s3 =	sadd.s32 s19, s18  }
0xa2: {  	s7 =	simm.s32 $0x0;
	s20 =	sshll.u32 s5, $0x1;
	s5 =	sadd.s32 s21, s3  }
0xa3: {  	[timem:s7], [sflag:s22] =	dma.local [hbm:s5], s20  }
0xa4: {  	_ =	swait.ge [sflag:s22], s20  }
0xa5: {  	s4 =	ssub.s32 $0x0, s20;
	[sflag:s22] =	ssyncset.done $0x0  }
0xa6: {  	[sflag:s22] =	ssyncadd.s32 s4;
	_ =	sdelay $0x1  }
0xa7: {  	s23 =	simm.s32 $0x1B8B  }
0xa8: {  	_ =	swait.ge [sflag:s23], $0x1  }
0xa9: {  	[sflag:s23] =	ssyncset.done $0x0  }
0xaa: {  	s25 =	simm.s32 $0x1B8E;
	s24 =	sld [smem:$0x3FFE];
	[sflag:s23] =	ssyncadd.s32 $0xFFFFFFFF  }
0xab: {  	s26 =	simm.s32 $execute0_lowered;
	[smem:$0x3FD2] =	sst s25  }
0xac: {  	s5 =	sshll.u32 s26, $0x1;
	_ =	strace $0x80000046;
	[dreg:$0x1] =	wrdreg $0xFFFFFFFF  }
0xad: {  	s28 =	simm.s32 $_size_execute0_lowered;
	s3 =	sadd.s32 s3, s5;
	[dreg:$0x0] =	wrdreg $0x0  }
0xae: {  	s5 =	sshll.u32 s28, $0x1;
	[dreg:$0x2] =	wrdreg s3  }
0xaf: {  	[dreg:$0x3] =	wrdreg s5  }
0xb0: {  	[dreg:$0x4] =	wrdreg $0xC0  }
0xb1: {  	_ =	task [dreg:s7], $0x5FFFF  }
0xb2: {  	[dreg:$0x1] =	wrdreg $0xFFFFFFFF  }
0xb3: {  	[dreg:$0x0] =	wrdreg $0x60  }
0xb4: {  	[dreg:$0x2] =	wrdreg s16  }
0xb5: {  	[dreg:$0x3] =	wrdreg s24  }
0xb6: {  	[dreg:$0x4] =	wrdreg $0x9  }
0xb7: {  	_ =	task.clear_ibuf [dreg:s7], $0x5FFFF;
	_ =	strace $0x90000046  }
0xb8: {  	s29 =	simm.s32 $0x9;
	_ =	strace $0x80000048  }
0xb9: {  	_ =	swait.ge [sflag:s29], $0x1  }
0xba: {  	[sflag:s29] =	ssyncadd.s32 $0xFFFFFFFF  }
0xbb: {  	_ =	strace $0x90000048  }
0xbc: {  	_ =	sfence  }
0xbd: {  	s30 =	sld [smem:$0x0];
	_ =	sdelay $0x2  }
0xbe: {  	s31 =	sshll.u32 s1, $0xD;
	s1 =	sshrl.u32 s1, $0x2  }
0xbf: {  	s3 =	sand.u32 $0x4000, s31;
	s1 =	sadd.s32 s1, s30  }
0xc0: {  	s0 =	sor.u32 s3, s0;
	s1 =	sshll.u32 s1, $0x11  }
0xc1: {  	s0 =	sor.u32 s1, s0  }
0xc2: {  	s0 =	sadd.s32 $0x8F2B, s0  }
0xc3: {  	[sflag:s0] =	ssyncadd.remote.s32 $0x1  }
0xc4: {  	_ =	sfence.sel $0xFFFF  }
0xc5: {  	[dreg:$0x0] =	wrdreg $0xFFFFFFFF;
	(pc) =	sbr.abs _section_cstart, $3  }
0xc6: {  	[dreg:$0x1] =	wrdreg $0xFFFFFFFF  }
0xc7: {  	_ =	task.clear_ibuf [dreg:s7], $0x2FFFF;
	_ =	strace $0x9FFFFFFF  }
0xc8: {  	(tm) =	ssettm $0x7FFFFFFF  }
0xc9: {  	_ =	shalt  }
tec
execute0_lowered:
.L_overlay_start_1:
0x0: {  	(tag) =	ssettag $0x1  }
0x1: {  	s1 =	srdreg.scid;
	s0 =	stileid.u32  }
0x2: {  	s10 =	sand.u32 $0x1, s1;
	s28 =	sshll.u32 s0, $0x1  }
0x3: {  	s2 =	rddreg [dreg:$0x0];
	s11 =	sor.u32 s10, s28  }
0x4: {  	s9 =	rddreg [dreg:$0x1];
	s4 =	smul.u32 $0x12, s11  }
0x5: {  	s3 =	simm.s32 $0x0;
	s1 =	rddreg [dreg:$0x2]  }
0x6: {  	[smem:$0x7FF] =	sst s3;
	s4 =	sadd.s32 s4, s9  }
0x7: {  	_ =	strace $0x80000047;
	s5 =	sadd.s32 $0xC00, s4;
	s4 =	simm.s32 $0x2  }
0x8: {  	[tilespmem:s3], [sflag:$0x2] =	stream.linear.gather [hbm4b:s5+s3], $0x90, $0x38;
	[tilespmem:$0x1290] =	vst v63  }
0x9: {  	_ =	swait.ge [sflag:s4], $0x90  }
0xa: {  	s6 =	simm.s32 $0x48;
	[sflag:s4] =	ssyncset.done $0x0  }
0xb: {  	s7 =	simm.s32 $0x90;
	s8 =	simm.s32 $0x1;
	[sflag:s4] =	ssyncadd.s32 $0xFFFFFF70  }
0xc: {  	[tilespmem:s7], [sflag:$0x1] =	stream.indirect.gather [hbm4b:s2+s6], $0x40, s3, s6, $0xb8;
	[tilespmem:$0x1290] =	vst v63  }
0xd: {  	s12 =	smul.u32 $0x480, s11;
	_ =	swait.ge [sflag:s8], $0x1200  }
0xe: {  	s13 =	sadd.s32 $0x1000, s9;
	[sflag:s8] =	ssyncset.done $0x0  }
0xf: {  	s10 =	ssub.s32 $0x2, s10;
	s9 =	sadd.s32 s13, s12;
	[sflag:s8] =	ssyncadd.s32 $0xFFFFEE00  }
0x10: {  	[hbm4b:s9+s3] =	stream.linear.scatter [tilespmem:s7], [sflag:$0x2], $0x1200, $0x38;
	[tilespmem:$0x1290] =	vst v63  }
0x11: {  	s29 =	sshrl.u32 s10, $0x1;
	_ =	swait.ge [sflag:s4], $0x1200  }
0x12: {  	s12 =	ssub.s32 s10, s29;
	[sflag:s4] =	ssyncset.done $0x0  }
0x13: {  	s11 =	smul.u32 $0x2400, s11;
	s31 =	smax.u32 s12, $0x1;
	[sflag:s4] =	ssyncadd.s32 $0xFFFFEE00  }
0x14: {  	[tilespmem:s7], [sflag:$0x1] =	stream.indirect.gather [hbm4b:s2+s6], $0x40, s6, s6, $0xb8;
	[tilespmem:$0x1290] =	vst v63  }
0x15: {  	s11 =	sshrl.u32 s11, $0x3;
	p0 =	sne.s32 s31, $0x1;
	_ =	swait.ge [sflag:s8], $0x1200  }
.Ltmp0:
0x16: {  	s30 =	sadd.s32 s13, s11;
	[sflag:s8] =	ssyncset.done $0x0;
	(pc) =	sbr.rel @!p0 .LBB2_2-.Ltmp0, $4  }
0x17: {  	s10 =	sadd.s32 $0x240, s30;
	[sflag:s8] =	ssyncadd.s32 $0xFFFFEE00  }
0x18: {  	[hbm4b:s10+s3] =	stream.linear.scatter [tilespmem:s7], [sflag:$0x2], $0x1200, $0x38;
	[tilespmem:$0x1290] =	vst v63  }
0x19: {  	_ =	swait.ge [sflag:s4], $0x1200  }
0x1a: {  	s11 =	sadd.s32 $0xFFFFFFFF, s31;
	[sflag:s4] =	ssyncset.done $0x0  }
.LBB2_1:
0x1b: {  	p0 =	sne.s32 s11, $0x1;
	s11 =	sadd.s32 $0xFFFFFFFF, s11;
	[sflag:s4] =	ssyncadd.s32 $0xFFFFEE00  }
0x1c: {  	[tilespmem:s3], [sflag:$0x2] =	stream.linear.gather [hbm4b:s5+s3], $0x90, $0x38;
	[tilespmem:$0x1290] =	vst v63  }
0x1d: {  	_ =	swait.ge [sflag:s4], $0x90  }
0x1e: {  	[sflag:s4] =	ssyncset.done $0x0  }
0x1f: {  	[sflag:s4] =	ssyncadd.s32 $0xFFFFFF70  }
0x20: {  	[tilespmem:s7], [sflag:$0x1] =	stream.indirect.gather [hbm4b:s2+s6], $0x40, s3, s6, $0xb8;
	[tilespmem:$0x1290] =	vst v63  }
0x21: {  	_ =	swait.ge [sflag:s8], $0x1200  }
0x22: {  	[sflag:s8] =	ssyncset.done $0x0  }
0x23: {  	[sflag:s8] =	ssyncadd.s32 $0xFFFFEE00  }
0x24: {  	[hbm4b:s9+s3] =	stream.linear.scatter [tilespmem:s7], [sflag:$0x2], $0x1200, $0x38;
	[tilespmem:$0x1290] =	vst v63  }
0x25: {  	_ =	swait.ge [sflag:s4], $0x1200  }
0x26: {  	[sflag:s4] =	ssyncset.done $0x0  }
0x27: {  	[sflag:s4] =	ssyncadd.s32 $0xFFFFEE00  }
0x28: {  	[tilespmem:s7], [sflag:$0x1] =	stream.indirect.gather [hbm4b:s2+s6], $0x40, s6, s6, $0xb8;
	[tilespmem:$0x1290] =	vst v63  }
0x29: {  	_ =	swait.ge [sflag:s8], $0x1200  }
.Ltmp1:
0x2a: {  	[sflag:s8] =	ssyncset.done $0x0;
	(pc) =	sbr.rel @p0 .LBB2_1-.Ltmp1, $4  }
0x2b: {  	[sflag:s8] =	ssyncadd.s32 $0xFFFFEE00  }
0x2c: {  	[hbm4b:s10+s3] =	stream.linear.scatter [tilespmem:s7], [sflag:$0x2], $0x1200, $0x38;
	[tilespmem:$0x1290] =	vst v63  }
0x2d: {  	_ =	swait.ge [sflag:s4], $0x1200  }
0x2e: {  	[sflag:s4] =	ssyncset.done $0x0  }
.LBB2_2:
0x2f: {  	[sflag:s4] =	ssyncadd.s32 $0xFFFFEE00  }
0x30: {  	_ =	sfence.sel $0x180000  }
0x31: {  	[bflag:$0x0] =	sbarrier.arrive $0xFFFF  }
0x32: {  	p0 =	sne.s32 s0, $0x0;
	_ =	strace $0x90000047  }
0x33: {  	s0 =	sadd.s32 @!p0 $0x100000, s1;
	[bflag:$0x2] =	sbarrier.arrive $0xFFFF  }
0x34: {  	[sflag:s0] =	ssyncadd.tile.s32 @!p0 $0x1;
	_ =	shalt  }
.Lfunc_end2:
_tile_overlayer_lowered:
.L_overlay_start_2:
0x35: {  	(tag) =	ssettag $0x2  }
0x36: {  	s0 =	rddreg [dreg:$0x0];
	s2 =	stileid.u32  }
0x37: {  	s1 =	rddreg [dreg:$0x1];
	p0 =	sne.s32 s2, $0x0  }
0x38: {  	s3 =	rddreg [dreg:$0x2];
	[bflag:$0x3] =	sbarrier.arrive $0xFFFF;
	s2 =	simm.s32 @!p0 $0x1C02  }
0x39: {  	[timem:s3], [sflag:s2] =	dma.local @!p0 [hbm:s0], s1  }
0x3a: {  	s0 =	simm.s32 @!p0 $0x2  }
0x3b: {  	_ =	swait.ge @!p0 [sflag:s0], s1  }
0x3c: {  	s1 =	ssub.s32 @!p0 $0x0, s1;
	[sflag:s0] =	ssyncset.done @!p0 $0x0  }
0x3d: {  	[sflag:s0] =	ssyncadd.s32 @!p0 s1  }
0x3e: {  	[bflag:$0x3] =	sbarrier.arrive $0xFFFF  }
0x3f: {  	_ =	shalt  }

</sc_bundles>
